<compile_context>
chip_gen: v7x
topology: tpu7x:2x2x1
jax: 0.10.2.dev20260603
libtpu: 0.0.44.dev20260713+nightly
codegen_flags: <defaults>
</compile_context>

<pallas_src>
import jax
import jax.numpy as jnp
from jax.experimental import pallas as pl
from jax.experimental.pallas import tpu as pltpu

B, DIM, N = 8, 256, 1024
NQ, K = 4, 1024
TILE_N = 1024
NT = N // TILE_N


def _rvq_body(x_ref, cb_ref, cbh_ref, cbm_ref, cbl_ref, qout_ref, louts_ref,
              idx_ref, loss_ref):
    res = x_ref[0]
    qout = jnp.zeros((DIM, TILE_N), jnp.float32)
    row_iota = jax.lax.broadcasted_iota(
        jnp.int32, (K, TILE_N), 0).astype(jnp.float32)
    rnorm = jnp.sum(res * res, axis=0, keepdims=True)
    for q in range(NQ):
        cb = cb_ref[q]
        cnorm = jnp.sum(cb * cb, axis=1, keepdims=True)
        scores = (rnorm - 2.0 * jnp.dot(cb, res)) + cnorm
        mins = jnp.min(scores, axis=0, keepdims=True)
        cand = jnp.where(scores == mins, row_iota, float(K))
        idxf = jnp.min(cand, axis=0)
        idx = idxf.astype(jnp.int32)
        onehot = (row_iota == idxf[None, :]).astype(jnp.bfloat16)
        dims = (((1,), (0,)), ((), ()))
        quant = (
            jax.lax.dot_general(cbh_ref[q], onehot, dims,
                                preferred_element_type=jnp.float32)
            + jax.lax.dot_general(cbm_ref[q], onehot, dims,
                                  preferred_element_type=jnp.float32)
            + jax.lax.dot_general(cbl_ref[q], onehot, dims,
                                  preferred_element_type=jnp.float32)
        )
        res = res - quant
        qout = qout + quant
        rnorm = jnp.sum(res * res, axis=0, keepdims=True)
        louts_ref[q, 0] = qout
        idx_ref[0, q, :] = idx
        loss_ref[0, 0, q : q + 1, :] = jnp.full((1, 128), jnp.sum(rnorm))
    qout_ref[0] = qout


def _trunc_bf16(v):
    u = jax.lax.bitcast_convert_type(v, jnp.uint32)
    return jax.lax.bitcast_convert_type(u & jnp.uint32(0xFFFF0000), jnp.float32)


@jax.jit
def kernel(x, codebooks):
    cbt = jnp.transpose(codebooks, (0, 2, 1))
    hi_f = _trunc_bf16(cbt)
    r1 = cbt - hi_f
    mid_f = _trunc_bf16(r1)
    lo_f = r1 - mid_f
    cb_hi = hi_f.astype(jnp.bfloat16)
    cb_mid = mid_f.astype(jnp.bfloat16)
    cb_lo = lo_f.astype(jnp.bfloat16)
    qout, louts, idx_out, loss_parts = pl.pallas_call(
        _rvq_body,
        grid=(B, NT),
        in_specs=[
            pl.BlockSpec((1, DIM, TILE_N), lambda b, t: (b, 0, t)),
            pl.BlockSpec((NQ, K, DIM), lambda b, t: (0, 0, 0)),
            pl.BlockSpec((NQ, DIM, K), lambda b, t: (0, 0, 0)),
            pl.BlockSpec((NQ, DIM, K), lambda b, t: (0, 0, 0)),
            pl.BlockSpec((NQ, DIM, K), lambda b, t: (0, 0, 0)),
        ],
        out_specs=[
            pl.BlockSpec((1, DIM, TILE_N), lambda b, t: (b, 0, t)),
            pl.BlockSpec((NQ, 1, DIM, TILE_N), lambda b, t: (0, b, 0, t)),
            pl.BlockSpec((1, NQ, TILE_N), lambda b, t: (b, 0, t)),
            pl.BlockSpec((1, 1, NQ, 128), lambda b, t: (b, t, 0, 0)),
        ],
        out_shape=[
            jax.ShapeDtypeStruct((B, DIM, N), jnp.float32),
            jax.ShapeDtypeStruct((NQ, B, DIM, N), jnp.float32),
            jax.ShapeDtypeStruct((B, NQ, N), jnp.int32),
            jax.ShapeDtypeStruct((B, NT, NQ, 128), jnp.float32),
        ],
        compiler_params=pltpu.CompilerParams(
            dimension_semantics=("parallel", "parallel"),
        ),
    )(x, codebooks, cb_hi, cb_mid, cb_lo)
    all_indices = jnp.transpose(idx_out, (0, 2, 1))
    all_losses = jnp.sum(loss_parts[:, :, :, 0], axis=(0, 1)) / (B * N * DIM)
    layer_out = jnp.transpose(louts, (1, 2, 3, 0))
    return qout, all_indices, all_losses, layer_out

# --- scband reference (transcript-rebuilt; emitter-appended) ---
"""Pipeline reference for scband-residual-vq-5162550690367 (READ-ONLY COPY).

The authoritative reference and input builder live on the scoring server;
editing this copy changes nothing except your own understanding.
"""

import jax, jax.numpy as jnp
import numpy as np

B, DIM, N = 8, 256, 1024
NQ, K = 4, 1024


def setup_inputs(seed: int = 0) -> dict:
    key = jax.random.key(seed)
    k1, k2 = jax.random.split(key)
    x = jax.random.normal(k1, (B, DIM, N), dtype=jnp.float32)
    # learned codebooks for the NQ residual quantizer layers: (n_q, n_codes, dim)
    codebooks = jax.random.normal(k2, (NQ, K, DIM), dtype=jnp.float32) * 0.02
    return {"x": x, "codebooks": codebooks}


def _vq_layer(residual, codebook):
    # residual: (b, d, n); codebook: (K, d)
    b, d, n = residual.shape
    flat = jnp.reshape(jnp.transpose(residual, (0, 2, 1)), (-1, d))  # (b*n, d)
    # squared euclidean distances to all codes (compute hotspot: matmul)
    dists = (jnp.sum(flat ** 2, axis=1, keepdims=True)
             - 2.0 * flat @ codebook.T
             + jnp.sum(codebook ** 2, axis=1)[None, :])
    idx = jnp.argmin(dists, axis=1)  # (b*n,)
    quant = jnp.take(codebook, idx, axis=0)  # gather codes (b*n, d)
    commit_loss = jnp.mean((jax.lax.stop_gradient(quant) - flat) ** 2)
    # straight-through estimator
    quant_st = flat + jax.lax.stop_gradient(quant - flat)
    onehot = jax.nn.one_hot(idx, codebook.shape[0], dtype=jnp.float32)
    probs = jnp.mean(onehot, axis=0)
    perplexity = jnp.exp(-jnp.sum(probs * jnp.log(probs + 1e-10)))
    quant_bdn = jnp.transpose(jnp.reshape(quant_st, (b, n, d)), (0, 2, 1))
    idx_bn = jnp.reshape(idx, (b, n))
    return quant_bdn, idx_bn, commit_loss, perplexity


def reference(x, codebooks):
    # project_in / project_out are Identity since codebook_dim == dim
    residual = x
    quantized_out = jnp.zeros_like(x)
    layer_out, all_losses, all_indices = [], [], []
    for q in range(codebooks.shape[0]):
        quant, idx, loss, _perp = _vq_layer(residual, codebooks[q])
        residual = residual - jax.lax.stop_gradient(quant)
        quantized_out = quantized_out + quant
        layer_out.append(quantized_out)
        all_indices.append(idx)
        all_losses.append(loss)
    all_losses = jnp.stack(all_losses, axis=-1)      # (NQ,)
    all_indices = jnp.stack(all_indices, axis=-1)    # (b, n, NQ)
    layer_out = jnp.stack(layer_out, axis=-1)        # (b, d, n, NQ)
    return quantized_out, all_indices, all_losses, layer_out

if __name__ == "__main__":
    import jax
    _d = setup_inputs()
    print(jax.jit(kernel)(*tuple(_d.values())))

</pallas_src>

<mosaic_0001>
module attributes {stable_mosaic.version = 14 : i64} {
  func.func @_rvq_body(%arg0: i32, %arg1: i32, %arg2: memref<1x256x1024xf32, #tpu.memory_space<vmem>>, %arg3: memref<4x1024x256xf32, #tpu.memory_space<vmem>>, %arg4: memref<4x256x1024xbf16, #tpu.memory_space<vmem>>, %arg5: memref<4x256x1024xbf16, #tpu.memory_space<vmem>>, %arg6: memref<4x256x1024xbf16, #tpu.memory_space<vmem>>, %arg7: memref<1x256x1024xf32, #tpu.memory_space<vmem>>, %arg8: memref<4x1x256x1024xf32, #tpu.memory_space<vmem>>, %arg9: memref<1x4x1024xi32, #tpu.memory_space<vmem>>, %arg10: memref<1x1x4x128xf32, #tpu.memory_space<vmem>>) attributes {dimension_semantics = [#tpu.dimension_semantics<parallel>, #tpu.dimension_semantics<parallel>], iteration_bounds = array<i64: 8, 1>, scalar_prefetch = 0 : i64, scratch_operands = 0 : i64, tpu.core_type = #tpu.core_type<tc>, window_params = [{transform_indices = @transform_0, window_bounds = array<i64: 1, 256, 1024>}, {pipeline_mode = #tpu.pipeline_mode<synchronous>, transform_indices = @transform_1, window_bounds = array<i64: 4, 1024, 256>}, {pipeline_mode = #tpu.pipeline_mode<synchronous>, transform_indices = @transform_2, window_bounds = array<i64: 4, 256, 1024>}, {pipeline_mode = #tpu.pipeline_mode<synchronous>, transform_indices = @transform_3, window_bounds = array<i64: 4, 256, 1024>}, {pipeline_mode = #tpu.pipeline_mode<synchronous>, transform_indices = @transform_4, window_bounds = array<i64: 4, 256, 1024>}, {transform_indices = @transform_5, window_bounds = array<i64: 1, 256, 1024>}, {transform_indices = @transform_6, window_bounds = array<i64: 4, 1, 256, 1024>}, {transform_indices = @transform_7, window_bounds = array<i64: 1, 4, 1024>}, {transform_indices = @transform_8, window_bounds = array<i64: 1, 1, 4, 128>}]} {
    %get3A = arith.constant 0 : index
    %get3A_0 = arith.constant 0 : index
    %get3A_1 = arith.constant 0 : index
    %get3A_2 = vector.load %arg2[%get3A, %get3A_0, %get3A_1] : memref<1x256x1024xf32, #tpu.memory_space<vmem>>, vector<1x256x1024xf32>
    %get3A_3 = vector.shape_cast %get3A_2 : vector<1x256x1024xf32> to vector<256x1024xf32>
    %broadcast_in_dim3A = arith.constant 0.000000e+00 : f32
    %broadcast_in_dim3A_4 = vector.broadcast %broadcast_in_dim3A : f32 to vector<256x1024xf32>
    %iota3A = tpu.iota {dimensions = array<i32: 0>} : vector<1024x1024xi32>
    %convert_element_type3A = arith.sitofp %iota3A : vector<1024x1024xi32> to vector<1024x1024xf32>
    %mul3A = arith.mulf %get3A_3, %get3A_3 : vector<256x1024xf32>
    %reduce_sum3A = arith.constant dense<0.000000e+00> : vector<1024xf32>
    %reduce_sum3A_5 = vector.multi_reduction <add>, %mul3A, %reduce_sum3A [0] : vector<256x1024xf32> to vector<1024xf32>
    %broadcast_in_dim3A_6 = vector.shape_cast %reduce_sum3A_5 : vector<1024xf32> to vector<1x1024xf32>
    %get3A_7 = arith.constant 0 : index
    %get3A_8 = arith.constant 0 : index
    %get3A_9 = arith.constant 0 : index
    %get3A_10 = vector.load %arg3[%get3A_7, %get3A_8, %get3A_9] : memref<4x1024x256xf32, #tpu.memory_space<vmem>>, vector<1x1024x256xf32>
    %get3A_11 = vector.shape_cast %get3A_10 : vector<1x1024x256xf32> to vector<1024x256xf32>
    %mul3A_12 = arith.mulf %get3A_11, %get3A_11 : vector<1024x256xf32>
    %reduce_sum3A_13 = arith.constant dense<0.000000e+00> : vector<1024xf32>
    %reduce_sum3A_14 = vector.multi_reduction <add>, %mul3A_12, %reduce_sum3A_13 [1] : vector<1024x256xf32> to vector<1024xf32>
    %broadcast_in_dim3A_15 = vector.shape_cast %reduce_sum3A_14 : vector<1024xf32> to vector<1024x1xf32>
    %dot_general3A = arith.constant dense<0.000000e+00> : vector<1024x1024xf32>
    %dot_general3A_16 = tpu.matmul %get3A_11, %get3A_3, %dot_general3A {dimension_numbers = #tpu.dot_dimension_numbers<[1], [0], [0], [1], [0, 0, 1, 1], [], []>, transpose_lhs_hint = false} : vector<1024x256xf32>, vector<256x1024xf32>, vector<1024x1024xf32> -> vector<1024x1024xf32>
    %mul3A_17 = arith.constant 2.000000e+00 : f32
    %mul3A_18 = vector.broadcast %mul3A_17 : f32 to vector<1024x1024xf32>
    %mul3A_19 = arith.mulf %mul3A_18, %dot_general3A_16 : vector<1024x1024xf32>
    %sub3A = vector.broadcast %broadcast_in_dim3A_6 : vector<1x1024xf32> to vector<1024x1024xf32>
    %sub3A_20 = arith.subf %sub3A, %mul3A_19 : vector<1024x1024xf32>
    %add3A = vector.broadcast %broadcast_in_dim3A_15 : vector<1024x1xf32> to vector<1024x1024xf32>
    %add3A_21 = arith.addf %sub3A_20, %add3A : vector<1024x1024xf32>
    %reduce_min3A = arith.constant dense<0x7F800000> : vector<1024xf32>
    %reduce_min3A_22 = vector.multi_reduction <minimumf>, %add3A_21, %reduce_min3A [0] : vector<1024x1024xf32> to vector<1024xf32>
    %broadcast_in_dim3A_23 = vector.shape_cast %reduce_min3A_22 : vector<1024xf32> to vector<1x1024xf32>
    %eq3A = vector.broadcast %broadcast_in_dim3A_23 : vector<1x1024xf32> to vector<1024x1024xf32>
    %eq3A_24 = arith.cmpf oeq, %add3A_21, %eq3A : vector<1024x1024xf32>
    %jit3A = arith.constant 1.024000e+03 : f32
    %broadcast_in_dim3A_25 = vector.broadcast %jit3A : f32 to vector<1024x1024xf32>
    %select_n3A = arith.select %eq3A_24, %convert_element_type3A, %broadcast_in_dim3A_25 : vector<1024x1024xi1>, vector<1024x1024xf32>
    %reduce_min3A_26 = arith.constant dense<0x7F800000> : vector<1024xf32>
    %reduce_min3A_27 = vector.multi_reduction <minimumf>, %select_n3A, %reduce_min3A_26 [0] : vector<1024x1024xf32> to vector<1024xf32>
    %convert_element_type3A_28 = arith.fptosi %reduce_min3A_27 : vector<1024xf32> to vector<1024xi32>
    %broadcast_in_dim3A_29 = vector.shape_cast %reduce_min3A_27 : vector<1024xf32> to vector<1x1024xf32>
    %eq3A_30 = vector.broadcast %broadcast_in_dim3A_29 : vector<1x1024xf32> to vector<1024x1024xf32>
    %eq3A_31 = arith.cmpf oeq, %convert_element_type3A, %eq3A_30 : vector<1024x1024xf32>
    %convert_element_type3A_32 = arith.extui %eq3A_31 : vector<1024x1024xi1> to vector<1024x1024xi32>
    %convert_element_type3A_33 = arith.sitofp %convert_element_type3A_32 : vector<1024x1024xi32> to vector<1024x1024xf32>
    %convert_element_type3A_34 = arith.truncf %convert_element_type3A_33 : vector<1024x1024xf32> to vector<1024x1024xbf16>
    %get3A_35 = arith.constant 0 : index
    %get3A_36 = arith.constant 0 : index
    %get3A_37 = arith.constant 0 : index
    %get3A_38 = vector.load %arg4[%get3A_35, %get3A_36, %get3A_37] : memref<4x256x1024xbf16, #tpu.memory_space<vmem>>, vector<1x256x1024xbf16>
    %get3A_39 = vector.shape_cast %get3A_38 : vector<1x256x1024xbf16> to vector<256x1024xbf16>
    %dot_general3A_40 = arith.constant dense<0.000000e+00> : vector<256x1024xf32>
    %dot_general3A_41 = tpu.matmul %get3A_39, %convert_element_type3A_34, %dot_general3A_40 {dimension_numbers = #tpu.dot_dimension_numbers<[1], [0], [0], [1], [0, 0, 1, 1], [], []>, transpose_lhs_hint = false} : vector<256x1024xbf16>, vector<1024x1024xbf16>, vector<256x1024xf32> -> vector<256x1024xf32>
    %get3A_42 = arith.constant 0 : index
    %get3A_43 = arith.constant 0 : index
    %get3A_44 = arith.constant 0 : index
    %get3A_45 = vector.load %arg5[%get3A_42, %get3A_43, %get3A_44] : memref<4x256x1024xbf16, #tpu.memory_space<vmem>>, vector<1x256x1024xbf16>
    %get3A_46 = vector.shape_cast %get3A_45 : vector<1x256x1024xbf16> to vector<256x1024xbf16>
    %dot_general3A_47 = arith.constant dense<0.000000e+00> : vector<256x1024xf32>
    %dot_general3A_48 = tpu.matmul %get3A_46, %convert_element_type3A_34, %dot_general3A_47 {dimension_numbers = #tpu.dot_dimension_numbers<[1], [0], [0], [1], [0, 0, 1, 1], [], []>, transpose_lhs_hint = false} : vector<256x1024xbf16>, vector<1024x1024xbf16>, vector<256x1024xf32> -> vector<256x1024xf32>
    %add3A_49 = arith.addf %dot_general3A_41, %dot_general3A_48 : vector<256x1024xf32>
    %get3A_50 = arith.constant 0 : index
    %get3A_51 = arith.constant 0 : index
    %get3A_52 = arith.constant 0 : index
    %get3A_53 = vector.load %arg6[%get3A_50, %get3A_51, %get3A_52] : memref<4x256x1024xbf16, #tpu.memory_space<vmem>>, vector<1x256x1024xbf16>
    %get3A_54 = vector.shape_cast %get3A_53 : vector<1x256x1024xbf16> to vector<256x1024xbf16>
    %dot_general3A_55 = arith.constant dense<0.000000e+00> : vector<256x1024xf32>
    %dot_general3A_56 = tpu.matmul %get3A_54, %convert_element_type3A_34, %dot_general3A_55 {dimension_numbers = #tpu.dot_dimension_numbers<[1], [0], [0], [1], [0, 0, 1, 1], [], []>, transpose_lhs_hint = false} : vector<256x1024xbf16>, vector<1024x1024xbf16>, vector<256x1024xf32> -> vector<256x1024xf32>
    %add3A_57 = arith.addf %add3A_49, %dot_general3A_56 : vector<256x1024xf32>
    %sub3A_58 = arith.subf %get3A_3, %add3A_57 : vector<256x1024xf32>
    %add3A_59 = arith.addf %broadcast_in_dim3A_4, %add3A_57 : vector<256x1024xf32>
    %mul3A_60 = arith.mulf %sub3A_58, %sub3A_58 : vector<256x1024xf32>
    %reduce_sum3A_61 = arith.constant dense<0.000000e+00> : vector<1024xf32>
    %reduce_sum3A_62 = vector.multi_reduction <add>, %mul3A_60, %reduce_sum3A_61 [0] : vector<256x1024xf32> to vector<1024xf32>
    %broadcast_in_dim3A_63 = vector.shape_cast %reduce_sum3A_62 : vector<1024xf32> to vector<1x1024xf32>
    %swap3A = arith.constant 0 : index
    %swap3A_64 = arith.constant 0 : index
    %swap3A_65 = arith.constant 0 : index
    %swap3A_66 = arith.constant 0 : index
    %swap3A_67 = vector.load %arg8[%swap3A, %swap3A_64, %swap3A_65, %swap3A_66] : memref<4x1x256x1024xf32, #tpu.memory_space<vmem>>, vector<1x1x256x1024xf32>
    %swap3A_68 = vector.shape_cast %swap3A_67 : vector<1x1x256x1024xf32> to vector<256x1024xf32>
    %swap3A_69 = vector.shape_cast %add3A_59 : vector<256x1024xf32> to vector<1x1x256x1024xf32>
    tpu.vector_store %arg8[%swap3A, %swap3A_64, %swap3A_65, %swap3A_66], %swap3A_69 {strides = array<i32>} : memref<4x1x256x1024xf32, #tpu.memory_space<vmem>>, vector<1x1x256x1024xf32>,
    %swap3A_70 = arith.constant 0 : index
    %swap3A_71 = arith.constant 0 : index
    %swap3A_72 = arith.constant 0 : index
    %swap3A_73 = vector.load %arg9[%swap3A_70, %swap3A_71, %swap3A_72] : memref<1x4x1024xi32, #tpu.memory_space<vmem>>, vector<1x1x1024xi32>
    %swap3A_74 = vector.shape_cast %swap3A_73 : vector<1x1x1024xi32> to vector<1024xi32>
    %swap3A_75 = vector.shape_cast %convert_element_type3A_28 : vector<1024xi32> to vector<1x1x1024xi32>
    tpu.vector_store %arg9[%swap3A_70, %swap3A_71, %swap3A_72], %swap3A_75 {strides = array<i32>} : memref<1x4x1024xi32, #tpu.memory_space<vmem>>, vector<1x1x1024xi32>,
    %reduce_sum3A_76 = vector.shape_cast %broadcast_in_dim3A_63 : vector<1x1024xf32> to vector<1x1x1024xf32>
    %reduce_sum3A_77 = arith.constant dense<0.000000e+00> : vector<1xf32>
    %reduce_sum3A_78 = vector.multi_reduction <add>, %reduce_sum3A_76, %reduce_sum3A_77 [1, 2] : vector<1x1x1024xf32> to vector<1xf32>
    %reduce_sum3A_79 = vector.shape_cast %reduce_sum3A_78 : vector<1xf32> to vector<1x1x1xf32>
    %reduce_sum3A_80 = vector.extract %reduce_sum3A_79[0, 0, 0] : f32 from vector<1x1x1xf32>
    %broadcast_in_dim3A_81 = vector.broadcast %reduce_sum3A_80 : f32 to vector<1x128xf32>
    %swap3A_82 = arith.constant 0 : index
    %swap3A_83 = arith.constant 0 : index
    %swap3A_84 = arith.constant 0 : index
    %swap3A_85 = arith.constant 0 : index
    %swap3A_86 = vector.load %arg10[%swap3A_82, %swap3A_83, %swap3A_84, %swap3A_85] : memref<1x1x4x128xf32, #tpu.memory_space<vmem>>, vector<1x1x1x128xf32>
    %swap3A_87 = vector.shape_cast %swap3A_86 : vector<1x1x1x128xf32> to vector<1x128xf32>
    %swap3A_88 = vector.shape_cast %broadcast_in_dim3A_81 : vector<1x128xf32> to vector<1x1x1x128xf32>
    tpu.vector_store %arg10[%swap3A_82, %swap3A_83, %swap3A_84, %swap3A_85], %swap3A_88 {strides = array<i32>} : memref<1x1x4x128xf32, #tpu.memory_space<vmem>>, vector<1x1x1x128xf32>,
    %get3A_89 = arith.constant 1 : index
    %get3A_90 = arith.constant 0 : index
    %get3A_91 = arith.constant 0 : index
    %get3A_92 = vector.load %arg3[%get3A_89, %get3A_90, %get3A_91] : memref<4x1024x256xf32, #tpu.memory_space<vmem>>, vector<1x1024x256xf32>
    %get3A_93 = vector.shape_cast %get3A_92 : vector<1x1024x256xf32> to vector<1024x256xf32>
    %mul3A_94 = arith.mulf %get3A_93, %get3A_93 : vector<1024x256xf32>
    %reduce_sum3A_95 = arith.constant dense<0.000000e+00> : vector<1024xf32>
    %reduce_sum3A_96 = vector.multi_reduction <add>, %mul3A_94, %reduce_sum3A_95 [1] : vector<1024x256xf32> to vector<1024xf32>
    %broadcast_in_dim3A_97 = vector.shape_cast %reduce_sum3A_96 : vector<1024xf32> to vector<1024x1xf32>
    %dot_general3A_98 = arith.constant dense<0.000000e+00> : vector<1024x1024xf32>
    %dot_general3A_99 = tpu.matmul %get3A_93, %sub3A_58, %dot_general3A_98 {dimension_numbers = #tpu.dot_dimension_numbers<[1], [0], [0], [1], [0, 0, 1, 1], [], []>, transpose_lhs_hint = false} : vector<1024x256xf32>, vector<256x1024xf32>, vector<1024x1024xf32> -> vector<1024x1024xf32>
    %mul3A_100 = arith.constant 2.000000e+00 : f32
    %mul3A_101 = vector.broadcast %mul3A_100 : f32 to vector<1024x1024xf32>
    %mul3A_102 = arith.mulf %mul3A_101, %dot_general3A_99 : vector<1024x1024xf32>
    %sub3A_103 = vector.broadcast %broadcast_in_dim3A_63 : vector<1x1024xf32> to vector<1024x1024xf32>
    %sub3A_104 = arith.subf %sub3A_103, %mul3A_102 : vector<1024x1024xf32>
    %add3A_105 = vector.broadcast %broadcast_in_dim3A_97 : vector<1024x1xf32> to vector<1024x1024xf32>
    %add3A_106 = arith.addf %sub3A_104, %add3A_105 : vector<1024x1024xf32>
    %reduce_min3A_107 = arith.constant dense<0x7F800000> : vector<1024xf32>
    %reduce_min3A_108 = vector.multi_reduction <minimumf>, %add3A_106, %reduce_min3A_107 [0] : vector<1024x1024xf32> to vector<1024xf32>
    %broadcast_in_dim3A_109 = vector.shape_cast %reduce_min3A_108 : vector<1024xf32> to vector<1x1024xf32>
    %eq3A_110 = vector.broadcast %broadcast_in_dim3A_109 : vector<1x1024xf32> to vector<1024x1024xf32>
    %eq3A_111 = arith.cmpf oeq, %add3A_106, %eq3A_110 : vector<1024x1024xf32>
    %jit3A_112 = arith.constant 1.024000e+03 : f32
    %broadcast_in_dim3A_113 = vector.broadcast %jit3A_112 : f32 to vector<1024x1024xf32>
    %select_n3A_114 = arith.select %eq3A_111, %convert_element_type3A, %broadcast_in_dim3A_113 : vector<1024x1024xi1>, vector<1024x1024xf32>
    %reduce_min3A_115 = arith.constant dense<0x7F800000> : vector<1024xf32>
    %reduce_min3A_116 = vector.multi_reduction <minimumf>, %select_n3A_114, %reduce_min3A_115 [0] : vector<1024x1024xf32> to vector<1024xf32>
    %convert_element_type3A_117 = arith.fptosi %reduce_min3A_116 : vector<1024xf32> to vector<1024xi32>
    %broadcast_in_dim3A_118 = vector.shape_cast %reduce_min3A_116 : vector<1024xf32> to vector<1x1024xf32>
    %eq3A_119 = vector.broadcast %broadcast_in_dim3A_118 : vector<1x1024xf32> to vector<1024x1024xf32>
    %eq3A_120 = arith.cmpf oeq, %convert_element_type3A, %eq3A_119 : vector<1024x1024xf32>
    %convert_element_type3A_121 = arith.extui %eq3A_120 : vector<1024x1024xi1> to vector<1024x1024xi32>
    %convert_element_type3A_122 = arith.sitofp %convert_element_type3A_121 : vector<1024x1024xi32> to vector<1024x1024xf32>
    %convert_element_type3A_123 = arith.truncf %convert_element_type3A_122 : vector<1024x1024xf32> to vector<1024x1024xbf16>
    %get3A_124 = arith.constant 1 : index
    %get3A_125 = arith.constant 0 : index
    %get3A_126 = arith.constant 0 : index
    %get3A_127 = vector.load %arg4[%get3A_124, %get3A_125, %get3A_126] : memref<4x256x1024xbf16, #tpu.memory_space<vmem>>, vector<1x256x1024xbf16>
    %get3A_128 = vector.shape_cast %get3A_127 : vector<1x256x1024xbf16> to vector<256x1024xbf16>
    %dot_general3A_129 = arith.constant dense<0.000000e+00> : vector<256x1024xf32>
    %dot_general3A_130 = tpu.matmul %get3A_128, %convert_element_type3A_123, %dot_general3A_129 {dimension_numbers = #tpu.dot_dimension_numbers<[1], [0], [0], [1], [0, 0, 1, 1], [], []>, transpose_lhs_hint = false} : vector<256x1024xbf16>, vector<1024x1024xbf16>, vector<256x1024xf32> -> vector<256x1024xf32>
    %get3A_131 = arith.constant 1 : index
    %get3A_132 = arith.constant 0 : index
    %get3A_133 = arith.constant 0 : index
    %get3A_134 = vector.load %arg5[%get3A_131, %get3A_132, %get3A_133] : memref<4x256x1024xbf16, #tpu.memory_space<vmem>>, vector<1x256x1024xbf16>
    %get3A_135 = vector.shape_cast %get3A_134 : vector<1x256x1024xbf16> to vector<256x1024xbf16>
    %dot_general3A_136 = arith.constant dense<0.000000e+00> : vector<256x1024xf32>
    %dot_general3A_137 = tpu.matmul %get3A_135, %convert_element_type3A_123, %dot_general3A_136 {dimension_numbers = #tpu.dot_dimension_numbers<[1], [0], [0], [1], [0, 0, 1, 1], [], []>, transpose_lhs_hint = false} : vector<256x1024xbf16>, vector<1024x1024xbf16>, vector<256x1024xf32> -> vector<256x1024xf32>
    %add3A_138 = arith.addf %dot_general3A_130, %dot_general3A_137 : vector<256x1024xf32>
    %get3A_139 = arith.constant 1 : index
    %get3A_140 = arith.constant 0 : index
    %get3A_141 = arith.constant 0 : index
    %get3A_142 = vector.load %arg6[%get3A_139, %get3A_140, %get3A_141] : memref<4x256x1024xbf16, #tpu.memory_space<vmem>>, vector<1x256x1024xbf16>
    %get3A_143 = vector.shape_cast %get3A_142 : vector<1x256x1024xbf16> to vector<256x1024xbf16>
    %dot_general3A_144 = arith.constant dense<0.000000e+00> : vector<256x1024xf32>
    %dot_general3A_145 = tpu.matmul %get3A_143, %convert_element_type3A_123, %dot_general3A_144 {dimension_numbers = #tpu.dot_dimension_numbers<[1], [0], [0], [1], [0, 0, 1, 1], [], []>, transpose_lhs_hint = false} : vector<256x1024xbf16>, vector<1024x1024xbf16>, vector<256x1024xf32> -> vector<256x1024xf32>
    %add3A_146 = arith.addf %add3A_138, %dot_general3A_145 : vector<256x1024xf32>
    %sub3A_147 = arith.subf %sub3A_58, %add3A_146 : vector<256x1024xf32>
    %add3A_148 = arith.addf %add3A_59, %add3A_146 : vector<256x1024xf32>
    %mul3A_149 = arith.mulf %sub3A_147, %sub3A_147 : vector<256x1024xf32>
    %reduce_sum3A_150 = arith.constant dense<0.000000e+00> : vector<1024xf32>
    %reduce_sum3A_151 = vector.multi_reduction <add>, %mul3A_149, %reduce_sum3A_150 [0] : vector<256x1024xf32> to vector<1024xf32>
    %broadcast_in_dim3A_152 = vector.shape_cast %reduce_sum3A_151 : vector<1024xf32> to vector<1x1024xf32>
    %swap3A_153 = arith.constant 1 : index
    %swap3A_154 = arith.constant 0 : index
    %swap3A_155 = arith.constant 0 : index
    %swap3A_156 = arith.constant 0 : index
    %swap3A_157 = vector.load %arg8[%swap3A_153, %swap3A_154, %swap3A_155, %swap3A_156] : memref<4x1x256x1024xf32, #tpu.memory_space<vmem>>, vector<1x1x256x1024xf32>
    %swap3A_158 = vector.shape_cast %swap3A_157 : vector<1x1x256x1024xf32> to vector<256x1024xf32>
    %swap3A_159 = vector.shape_cast %add3A_148 : vector<256x1024xf32> to vector<1x1x256x1024xf32>
    tpu.vector_store %arg8[%swap3A_153, %swap3A_154, %swap3A_155, %swap3A_156], %swap3A_159 {strides = array<i32>} : memref<4x1x256x1024xf32, #tpu.memory_space<vmem>>, vector<1x1x256x1024xf32>,
    %swap3A_160 = arith.constant 0 : index
    %swap3A_161 = arith.constant 1 : index
    %swap3A_162 = arith.constant 0 : index
    %swap3A_163 = vector.load %arg9[%swap3A_160, %swap3A_161, %swap3A_162] : memref<1x4x1024xi32, #tpu.memory_space<vmem>>, vector<1x1x1024xi32>
    %swap3A_164 = vector.shape_cast %swap3A_163 : vector<1x1x1024xi32> to vector<1024xi32>
    %swap3A_165 = vector.shape_cast %convert_element_type3A_117 : vector<1024xi32> to vector<1x1x1024xi32>
    tpu.vector_store %arg9[%swap3A_160, %swap3A_161, %swap3A_162], %swap3A_165 {strides = array<i32>} : memref<1x4x1024xi32, #tpu.memory_space<vmem>>, vector<1x1x1024xi32>,
    %reduce_sum3A_166 = vector.shape_cast %broadcast_in_dim3A_152 : vector<1x1024xf32> to vector<1x1x1024xf32>
    %reduce_sum3A_167 = arith.constant dense<0.000000e+00> : vector<1xf32>
    %reduce_sum3A_168 = vector.multi_reduction <add>, %reduce_sum3A_166, %reduce_sum3A_167 [1, 2] : vector<1x1x1024xf32> to vector<1xf32>
    %reduce_sum3A_169 = vector.shape_cast %reduce_sum3A_168 : vector<1xf32> to vector<1x1x1xf32>
    %reduce_sum3A_170 = vector.extract %reduce_sum3A_169[0, 0, 0] : f32 from vector<1x1x1xf32>
    %broadcast_in_dim3A_171 = vector.broadcast %reduce_sum3A_170 : f32 to vector<1x128xf32>
    %swap3A_172 = arith.constant 0 : index
    %swap3A_173 = arith.constant 0 : index
    %swap3A_174 = arith.constant 1 : index
    %swap3A_175 = arith.constant 0 : index
    %swap3A_176 = vector.load %arg10[%swap3A_172, %swap3A_173, %swap3A_174, %swap3A_175] : memref<1x1x4x128xf32, #tpu.memory_space<vmem>>, vector<1x1x1x128xf32>
    %swap3A_177 = vector.shape_cast %swap3A_176 : vector<1x1x1x128xf32> to vector<1x128xf32>
    %swap3A_178 = vector.shape_cast %broadcast_in_dim3A_171 : vector<1x128xf32> to vector<1x1x1x128xf32>
    tpu.vector_store %arg10[%swap3A_172, %swap3A_173, %swap3A_174, %swap3A_175], %swap3A_178 {strides = array<i32>} : memref<1x1x4x128xf32, #tpu.memory_space<vmem>>, vector<1x1x1x128xf32>,
    %get3A_179 = arith.constant 2 : index
    %get3A_180 = arith.constant 0 : index
    %get3A_181 = arith.constant 0 : index
    %get3A_182 = vector.load %arg3[%get3A_179, %get3A_180, %get3A_181] : memref<4x1024x256xf32, #tpu.memory_space<vmem>>, vector<1x1024x256xf32>
    %get3A_183 = vector.shape_cast %get3A_182 : vector<1x1024x256xf32> to vector<1024x256xf32>
    %mul3A_184 = arith.mulf %get3A_183, %get3A_183 : vector<1024x256xf32>
    %reduce_sum3A_185 = arith.constant dense<0.000000e+00> : vector<1024xf32>
    %reduce_sum3A_186 = vector.multi_reduction <add>, %mul3A_184, %reduce_sum3A_185 [1] : vector<1024x256xf32> to vector<1024xf32>
    %broadcast_in_dim3A_187 = vector.shape_cast %reduce_sum3A_186 : vector<1024xf32> to vector<1024x1xf32>
    %dot_general3A_188 = arith.constant dense<0.000000e+00> : vector<1024x1024xf32>
    %dot_general3A_189 = tpu.matmul %get3A_183, %sub3A_147, %dot_general3A_188 {dimension_numbers = #tpu.dot_dimension_numbers<[1], [0], [0], [1], [0, 0, 1, 1], [], []>, transpose_lhs_hint = false} : vector<1024x256xf32>, vector<256x1024xf32>, vector<1024x1024xf32> -> vector<1024x1024xf32>
    %mul3A_190 = arith.constant 2.000000e+00 : f32
    %mul3A_191 = vector.broadcast %mul3A_190 : f32 to vector<1024x1024xf32>
    %mul3A_192 = arith.mulf %mul3A_191, %dot_general3A_189 : vector<1024x1024xf32>
    %sub3A_193 = vector.broadcast %broadcast_in_dim3A_152 : vector<1x1024xf32> to vector<1024x1024xf32>
    %sub3A_194 = arith.subf %sub3A_193, %mul3A_192 : vector<1024x1024xf32>
    %add3A_195 = vector.broadcast %broadcast_in_dim3A_187 : vector<1024x1xf32> to vector<1024x1024xf32>
    %add3A_196 = arith.addf %sub3A_194, %add3A_195 : vector<1024x1024xf32>
    %reduce_min3A_197 = arith.constant dense<0x7F800000> : vector<1024xf32>
    %reduce_min3A_198 = vector.multi_reduction <minimumf>, %add3A_196, %reduce_min3A_197 [0] : vector<1024x1024xf32> to vector<1024xf32>
    %broadcast_in_dim3A_199 = vector.shape_cast %reduce_min3A_198 : vector<1024xf32> to vector<1x1024xf32>
    %eq3A_200 = vector.broadcast %broadcast_in_dim3A_199 : vector<1x1024xf32> to vector<1024x1024xf32>
    %eq3A_201 = arith.cmpf oeq, %add3A_196, %eq3A_200 : vector<1024x1024xf32>
    %jit3A_202 = arith.constant 1.024000e+03 : f32
    %broadcast_in_dim3A_203 = vector.broadcast %jit3A_202 : f32 to vector<1024x1024xf32>
    %select_n3A_204 = arith.select %eq3A_201, %convert_element_type3A, %broadcast_in_dim3A_203 : vector<1024x1024xi1>, vector<1024x1024xf32>
    %reduce_min3A_205 = arith.constant dense<0x7F800000> : vector<1024xf32>
    %reduce_min3A_206 = vector.multi_reduction <minimumf>, %select_n3A_204, %reduce_min3A_205 [0] : vector<1024x1024xf32> to vector<1024xf32>
    %convert_element_type3A_207 = arith.fptosi %reduce_min3A_206 : vector<1024xf32> to vector<1024xi32>
    %broadcast_in_dim3A_208 = vector.shape_cast %reduce_min3A_206 : vector<1024xf32> to vector<1x1024xf32>
    %eq3A_209 = vector.broadcast %broadcast_in_dim3A_208 : vector<1x1024xf32> to vector<1024x1024xf32>
    %eq3A_210 = arith.cmpf oeq, %convert_element_type3A, %eq3A_209 : vector<1024x1024xf32>
    %convert_element_type3A_211 = arith.extui %eq3A_210 : vector<1024x1024xi1> to vector<1024x1024xi32>
    %convert_element_type3A_212 = arith.sitofp %convert_element_type3A_211 : vector<1024x1024xi32> to vector<1024x1024xf32>
    %convert_element_type3A_213 = arith.truncf %convert_element_type3A_212 : vector<1024x1024xf32> to vector<1024x1024xbf16>
    %get3A_214 = arith.constant 2 : index
    %get3A_215 = arith.constant 0 : index
    %get3A_216 = arith.constant 0 : index
    %get3A_217 = vector.load %arg4[%get3A_214, %get3A_215, %get3A_216] : memref<4x256x1024xbf16, #tpu.memory_space<vmem>>, vector<1x256x1024xbf16>
    %get3A_218 = vector.shape_cast %get3A_217 : vector<1x256x1024xbf16> to vector<256x1024xbf16>
    %dot_general3A_219 = arith.constant dense<0.000000e+00> : vector<256x1024xf32>
    %dot_general3A_220 = tpu.matmul %get3A_218, %convert_element_type3A_213, %dot_general3A_219 {dimension_numbers = #tpu.dot_dimension_numbers<[1], [0], [0], [1], [0, 0, 1, 1], [], []>, transpose_lhs_hint = false} : vector<256x1024xbf16>, vector<1024x1024xbf16>, vector<256x1024xf32> -> vector<256x1024xf32>
    %get3A_221 = arith.constant 2 : index
    %get3A_222 = arith.constant 0 : index
    %get3A_223 = arith.constant 0 : index
    %get3A_224 = vector.load %arg5[%get3A_221, %get3A_222, %get3A_223] : memref<4x256x1024xbf16, #tpu.memory_space<vmem>>, vector<1x256x1024xbf16>
    %get3A_225 = vector.shape_cast %get3A_224 : vector<1x256x1024xbf16> to vector<256x1024xbf16>
    %dot_general3A_226 = arith.constant dense<0.000000e+00> : vector<256x1024xf32>
    %dot_general3A_227 = tpu.matmul %get3A_225, %convert_element_type3A_213, %dot_general3A_226 {dimension_numbers = #tpu.dot_dimension_numbers<[1], [0], [0], [1], [0, 0, 1, 1], [], []>, transpose_lhs_hint = false} : vector<256x1024xbf16>, vector<1024x1024xbf16>, vector<256x1024xf32> -> vector<256x1024xf32>
    %add3A_228 = arith.addf %dot_general3A_220, %dot_general3A_227 : vector<256x1024xf32>
    %get3A_229 = arith.constant 2 : index
    %get3A_230 = arith.constant 0 : index
    %get3A_231 = arith.constant 0 : index
    %get3A_232 = vector.load %arg6[%get3A_229, %get3A_230, %get3A_231] : memref<4x256x1024xbf16, #tpu.memory_space<vmem>>, vector<1x256x1024xbf16>
    %get3A_233 = vector.shape_cast %get3A_232 : vector<1x256x1024xbf16> to vector<256x1024xbf16>
    %dot_general3A_234 = arith.constant dense<0.000000e+00> : vector<256x1024xf32>
    %dot_general3A_235 = tpu.matmul %get3A_233, %convert_element_type3A_213, %dot_general3A_234 {dimension_numbers = #tpu.dot_dimension_numbers<[1], [0], [0], [1], [0, 0, 1, 1], [], []>, transpose_lhs_hint = false} : vector<256x1024xbf16>, vector<1024x1024xbf16>, vector<256x1024xf32> -> vector<256x1024xf32>
    %add3A_236 = arith.addf %add3A_228, %dot_general3A_235 : vector<256x1024xf32>
    %sub3A_237 = arith.subf %sub3A_147, %add3A_236 : vector<256x1024xf32>
    %add3A_238 = arith.addf %add3A_148, %add3A_236 : vector<256x1024xf32>
    %mul3A_239 = arith.mulf %sub3A_237, %sub3A_237 : vector<256x1024xf32>
    %reduce_sum3A_240 = arith.constant dense<0.000000e+00> : vector<1024xf32>
    %reduce_sum3A_241 = vector.multi_reduction <add>, %mul3A_239, %reduce_sum3A_240 [0] : vector<256x1024xf32> to vector<1024xf32>
    %broadcast_in_dim3A_242 = vector.shape_cast %reduce_sum3A_241 : vector<1024xf32> to vector<1x1024xf32>
    %swap3A_243 = arith.constant 2 : index
    %swap3A_244 = arith.constant 0 : index
    %swap3A_245 = arith.constant 0 : index
    %swap3A_246 = arith.constant 0 : index
    %swap3A_247 = vector.load %arg8[%swap3A_243, %swap3A_244, %swap3A_245, %swap3A_246] : memref<4x1x256x1024xf32, #tpu.memory_space<vmem>>, vector<1x1x256x1024xf32>
    %swap3A_248 = vector.shape_cast %swap3A_247 : vector<1x1x256x1024xf32> to vector<256x1024xf32>
    %swap3A_249 = vector.shape_cast %add3A_238 : vector<256x1024xf32> to vector<1x1x256x1024xf32>
    tpu.vector_store %arg8[%swap3A_243, %swap3A_244, %swap3A_245, %swap3A_246], %swap3A_249 {strides = array<i32>} : memref<4x1x256x1024xf32, #tpu.memory_space<vmem>>, vector<1x1x256x1024xf32>,
    %swap3A_250 = arith.constant 0 : index
    %swap3A_251 = arith.constant 2 : index
    %swap3A_252 = arith.constant 0 : index
    %swap3A_253 = vector.load %arg9[%swap3A_250, %swap3A_251, %swap3A_252] : memref<1x4x1024xi32, #tpu.memory_space<vmem>>, vector<1x1x1024xi32>
    %swap3A_254 = vector.shape_cast %swap3A_253 : vector<1x1x1024xi32> to vector<1024xi32>
    %swap3A_255 = vector.shape_cast %convert_element_type3A_207 : vector<1024xi32> to vector<1x1x1024xi32>
    tpu.vector_store %arg9[%swap3A_250, %swap3A_251, %swap3A_252], %swap3A_255 {strides = array<i32>} : memref<1x4x1024xi32, #tpu.memory_space<vmem>>, vector<1x1x1024xi32>,
    %reduce_sum3A_256 = vector.shape_cast %broadcast_in_dim3A_242 : vector<1x1024xf32> to vector<1x1x1024xf32>
    %reduce_sum3A_257 = arith.constant dense<0.000000e+00> : vector<1xf32>
    %reduce_sum3A_258 = vector.multi_reduction <add>, %reduce_sum3A_256, %reduce_sum3A_257 [1, 2] : vector<1x1x1024xf32> to vector<1xf32>
    %reduce_sum3A_259 = vector.shape_cast %reduce_sum3A_258 : vector<1xf32> to vector<1x1x1xf32>
    %reduce_sum3A_260 = vector.extract %reduce_sum3A_259[0, 0, 0] : f32 from vector<1x1x1xf32>
    %broadcast_in_dim3A_261 = vector.broadcast %reduce_sum3A_260 : f32 to vector<1x128xf32>
    %swap3A_262 = arith.constant 0 : index
    %swap3A_263 = arith.constant 0 : index
    %swap3A_264 = arith.constant 2 : index
    %swap3A_265 = arith.constant 0 : index
    %swap3A_266 = vector.load %arg10[%swap3A_262, %swap3A_263, %swap3A_264, %swap3A_265] : memref<1x1x4x128xf32, #tpu.memory_space<vmem>>, vector<1x1x1x128xf32>
    %swap3A_267 = vector.shape_cast %swap3A_266 : vector<1x1x1x128xf32> to vector<1x128xf32>
    %swap3A_268 = vector.shape_cast %broadcast_in_dim3A_261 : vector<1x128xf32> to vector<1x1x1x128xf32>
    tpu.vector_store %arg10[%swap3A_262, %swap3A_263, %swap3A_264, %swap3A_265], %swap3A_268 {strides = array<i32>} : memref<1x1x4x128xf32, #tpu.memory_space<vmem>>, vector<1x1x1x128xf32>,
    %get3A_269 = arith.constant 3 : index
    %get3A_270 = arith.constant 0 : index
    %get3A_271 = arith.constant 0 : index
    %get3A_272 = vector.load %arg3[%get3A_269, %get3A_270, %get3A_271] : memref<4x1024x256xf32, #tpu.memory_space<vmem>>, vector<1x1024x256xf32>
    %get3A_273 = vector.shape_cast %get3A_272 : vector<1x1024x256xf32> to vector<1024x256xf32>
    %mul3A_274 = arith.mulf %get3A_273, %get3A_273 : vector<1024x256xf32>
    %reduce_sum3A_275 = arith.constant dense<0.000000e+00> : vector<1024xf32>
    %reduce_sum3A_276 = vector.multi_reduction <add>, %mul3A_274, %reduce_sum3A_275 [1] : vector<1024x256xf32> to vector<1024xf32>
    %broadcast_in_dim3A_277 = vector.shape_cast %reduce_sum3A_276 : vector<1024xf32> to vector<1024x1xf32>
    %dot_general3A_278 = arith.constant dense<0.000000e+00> : vector<1024x1024xf32>
    %dot_general3A_279 = tpu.matmul %get3A_273, %sub3A_237, %dot_general3A_278 {dimension_numbers = #tpu.dot_dimension_numbers<[1], [0], [0], [1], [0, 0, 1, 1], [], []>, transpose_lhs_hint = false} : vector<1024x256xf32>, vector<256x1024xf32>, vector<1024x1024xf32> -> vector<1024x1024xf32>
    %mul3A_280 = arith.constant 2.000000e+00 : f32
    %mul3A_281 = vector.broadcast %mul3A_280 : f32 to vector<1024x1024xf32>
    %mul3A_282 = arith.mulf %mul3A_281, %dot_general3A_279 : vector<1024x1024xf32>
    %sub3A_283 = vector.broadcast %broadcast_in_dim3A_242 : vector<1x1024xf32> to vector<1024x1024xf32>
    %sub3A_284 = arith.subf %sub3A_283, %mul3A_282 : vector<1024x1024xf32>
    %add3A_285 = vector.broadcast %broadcast_in_dim3A_277 : vector<1024x1xf32> to vector<1024x1024xf32>
    %add3A_286 = arith.addf %sub3A_284, %add3A_285 : vector<1024x1024xf32>
    %reduce_min3A_287 = arith.constant dense<0x7F800000> : vector<1024xf32>
    %reduce_min3A_288 = vector.multi_reduction <minimumf>, %add3A_286, %reduce_min3A_287 [0] : vector<1024x1024xf32> to vector<1024xf32>
    %broadcast_in_dim3A_289 = vector.shape_cast %reduce_min3A_288 : vector<1024xf32> to vector<1x1024xf32>
    %eq3A_290 = vector.broadcast %broadcast_in_dim3A_289 : vector<1x1024xf32> to vector<1024x1024xf32>
    %eq3A_291 = arith.cmpf oeq, %add3A_286, %eq3A_290 : vector<1024x1024xf32>
    %jit3A_292 = arith.constant 1.024000e+03 : f32
    %broadcast_in_dim3A_293 = vector.broadcast %jit3A_292 : f32 to vector<1024x1024xf32>
    %select_n3A_294 = arith.select %eq3A_291, %convert_element_type3A, %broadcast_in_dim3A_293 : vector<1024x1024xi1>, vector<1024x1024xf32>
    %reduce_min3A_295 = arith.constant dense<0x7F800000> : vector<1024xf32>
    %reduce_min3A_296 = vector.multi_reduction <minimumf>, %select_n3A_294, %reduce_min3A_295 [0] : vector<1024x1024xf32> to vector<1024xf32>
    %convert_element_type3A_297 = arith.fptosi %reduce_min3A_296 : vector<1024xf32> to vector<1024xi32>
    %broadcast_in_dim3A_298 = vector.shape_cast %reduce_min3A_296 : vector<1024xf32> to vector<1x1024xf32>
    %eq3A_299 = vector.broadcast %broadcast_in_dim3A_298 : vector<1x1024xf32> to vector<1024x1024xf32>
    %eq3A_300 = arith.cmpf oeq, %convert_element_type3A, %eq3A_299 : vector<1024x1024xf32>
    %convert_element_type3A_301 = arith.extui %eq3A_300 : vector<1024x1024xi1> to vector<1024x1024xi32>
    %convert_element_type3A_302 = arith.sitofp %convert_element_type3A_301 : vector<1024x1024xi32> to vector<1024x1024xf32>
    %convert_element_type3A_303 = arith.truncf %convert_element_type3A_302 : vector<1024x1024xf32> to vector<1024x1024xbf16>
    %get3A_304 = arith.constant 3 : index
    %get3A_305 = arith.constant 0 : index
    %get3A_306 = arith.constant 0 : index
    %get3A_307 = vector.load %arg4[%get3A_304, %get3A_305, %get3A_306] : memref<4x256x1024xbf16, #tpu.memory_space<vmem>>, vector<1x256x1024xbf16>
    %get3A_308 = vector.shape_cast %get3A_307 : vector<1x256x1024xbf16> to vector<256x1024xbf16>
    %dot_general3A_309 = arith.constant dense<0.000000e+00> : vector<256x1024xf32>
    %dot_general3A_310 = tpu.matmul %get3A_308, %convert_element_type3A_303, %dot_general3A_309 {dimension_numbers = #tpu.dot_dimension_numbers<[1], [0], [0], [1], [0, 0, 1, 1], [], []>, transpose_lhs_hint = false} : vector<256x1024xbf16>, vector<1024x1024xbf16>, vector<256x1024xf32> -> vector<256x1024xf32>
    %get3A_311 = arith.constant 3 : index
    %get3A_312 = arith.constant 0 : index
    %get3A_313 = arith.constant 0 : index
    %get3A_314 = vector.load %arg5[%get3A_311, %get3A_312, %get3A_313] : memref<4x256x1024xbf16, #tpu.memory_space<vmem>>, vector<1x256x1024xbf16>
    %get3A_315 = vector.shape_cast %get3A_314 : vector<1x256x1024xbf16> to vector<256x1024xbf16>
    %dot_general3A_316 = arith.constant dense<0.000000e+00> : vector<256x1024xf32>
    %dot_general3A_317 = tpu.matmul %get3A_315, %convert_element_type3A_303, %dot_general3A_316 {dimension_numbers = #tpu.dot_dimension_numbers<[1], [0], [0], [1], [0, 0, 1, 1], [], []>, transpose_lhs_hint = false} : vector<256x1024xbf16>, vector<1024x1024xbf16>, vector<256x1024xf32> -> vector<256x1024xf32>
    %add3A_318 = arith.addf %dot_general3A_310, %dot_general3A_317 : vector<256x1024xf32>
    %get3A_319 = arith.constant 3 : index
    %get3A_320 = arith.constant 0 : index
    %get3A_321 = arith.constant 0 : index
    %get3A_322 = vector.load %arg6[%get3A_319, %get3A_320, %get3A_321] : memref<4x256x1024xbf16, #tpu.memory_space<vmem>>, vector<1x256x1024xbf16>
    %get3A_323 = vector.shape_cast %get3A_322 : vector<1x256x1024xbf16> to vector<256x1024xbf16>
    %dot_general3A_324 = arith.constant dense<0.000000e+00> : vector<256x1024xf32>
    %dot_general3A_325 = tpu.matmul %get3A_323, %convert_element_type3A_303, %dot_general3A_324 {dimension_numbers = #tpu.dot_dimension_numbers<[1], [0], [0], [1], [0, 0, 1, 1], [], []>, transpose_lhs_hint = false} : vector<256x1024xbf16>, vector<1024x1024xbf16>, vector<256x1024xf32> -> vector<256x1024xf32>
    %add3A_326 = arith.addf %add3A_318, %dot_general3A_325 : vector<256x1024xf32>
    %sub3A_327 = arith.subf %sub3A_237, %add3A_326 : vector<256x1024xf32>
    %add3A_328 = arith.addf %add3A_238, %add3A_326 : vector<256x1024xf32>
    %mul3A_329 = arith.mulf %sub3A_327, %sub3A_327 : vector<256x1024xf32>
    %reduce_sum3A_330 = arith.constant dense<0.000000e+00> : vector<1024xf32>
    %reduce_sum3A_331 = vector.multi_reduction <add>, %mul3A_329, %reduce_sum3A_330 [0] : vector<256x1024xf32> to vector<1024xf32>
    %broadcast_in_dim3A_332 = vector.shape_cast %reduce_sum3A_331 : vector<1024xf32> to vector<1x1024xf32>
    %swap3A_333 = arith.constant 3 : index
    %swap3A_334 = arith.constant 0 : index
    %swap3A_335 = arith.constant 0 : index
    %swap3A_336 = arith.constant 0 : index
    %swap3A_337 = vector.load %arg8[%swap3A_333, %swap3A_334, %swap3A_335, %swap3A_336] : memref<4x1x256x1024xf32, #tpu.memory_space<vmem>>, vector<1x1x256x1024xf32>
    %swap3A_338 = vector.shape_cast %swap3A_337 : vector<1x1x256x1024xf32> to vector<256x1024xf32>
    %swap3A_339 = vector.shape_cast %add3A_328 : vector<256x1024xf32> to vector<1x1x256x1024xf32>
    tpu.vector_store %arg8[%swap3A_333, %swap3A_334, %swap3A_335, %swap3A_336], %swap3A_339 {strides = array<i32>} : memref<4x1x256x1024xf32, #tpu.memory_space<vmem>>, vector<1x1x256x1024xf32>,
    %swap3A_340 = arith.constant 0 : index
    %swap3A_341 = arith.constant 3 : index
    %swap3A_342 = arith.constant 0 : index
    %swap3A_343 = vector.load %arg9[%swap3A_340, %swap3A_341, %swap3A_342] : memref<1x4x1024xi32, #tpu.memory_space<vmem>>, vector<1x1x1024xi32>
    %swap3A_344 = vector.shape_cast %swap3A_343 : vector<1x1x1024xi32> to vector<1024xi32>
    %swap3A_345 = vector.shape_cast %convert_element_type3A_297 : vector<1024xi32> to vector<1x1x1024xi32>
    tpu.vector_store %arg9[%swap3A_340, %swap3A_341, %swap3A_342], %swap3A_345 {strides = array<i32>} : memref<1x4x1024xi32, #tpu.memory_space<vmem>>, vector<1x1x1024xi32>,
    %reduce_sum3A_346 = vector.shape_cast %broadcast_in_dim3A_332 : vector<1x1024xf32> to vector<1x1x1024xf32>
    %reduce_sum3A_347 = arith.constant dense<0.000000e+00> : vector<1xf32>
    %reduce_sum3A_348 = vector.multi_reduction <add>, %reduce_sum3A_346, %reduce_sum3A_347 [1, 2] : vector<1x1x1024xf32> to vector<1xf32>
    %reduce_sum3A_349 = vector.shape_cast %reduce_sum3A_348 : vector<1xf32> to vector<1x1x1xf32>
    %reduce_sum3A_350 = vector.extract %reduce_sum3A_349[0, 0, 0] : f32 from vector<1x1x1xf32>
    %broadcast_in_dim3A_351 = vector.broadcast %reduce_sum3A_350 : f32 to vector<1x128xf32>
    %swap3A_352 = arith.constant 0 : index
    %swap3A_353 = arith.constant 0 : index
    %swap3A_354 = arith.constant 3 : index
    %swap3A_355 = arith.constant 0 : index
    %swap3A_356 = vector.load %arg10[%swap3A_352, %swap3A_353, %swap3A_354, %swap3A_355] : memref<1x1x4x128xf32, #tpu.memory_space<vmem>>, vector<1x1x1x128xf32>
    %swap3A_357 = vector.shape_cast %swap3A_356 : vector<1x1x1x128xf32> to vector<1x128xf32>
    %swap3A_358 = vector.shape_cast %broadcast_in_dim3A_351 : vector<1x128xf32> to vector<1x1x1x128xf32>
    tpu.vector_store %arg10[%swap3A_352, %swap3A_353, %swap3A_354, %swap3A_355], %swap3A_358 {strides = array<i32>} : memref<1x1x4x128xf32, #tpu.memory_space<vmem>>, vector<1x1x1x128xf32>,
    %swap3A_359 = arith.constant 0 : index
    %swap3A_360 = arith.constant 0 : index
    %swap3A_361 = arith.constant 0 : index
    %swap3A_362 = vector.load %arg7[%swap3A_359, %swap3A_360, %swap3A_361] : memref<1x256x1024xf32, #tpu.memory_space<vmem>>, vector<1x256x1024xf32>
    %swap3A_363 = vector.shape_cast %swap3A_362 : vector<1x256x1024xf32> to vector<256x1024xf32>
    %swap3A_364 = vector.shape_cast %add3A_328 : vector<256x1024xf32> to vector<1x256x1024xf32>
    tpu.vector_store %arg7[%swap3A_359, %swap3A_360, %swap3A_361], %swap3A_364 {strides = array<i32>} : memref<1x256x1024xf32, #tpu.memory_space<vmem>>, vector<1x256x1024xf32>,
    return
  }
  func.func @transform_0(%arg0: i32, %arg1: i32) -> (i32, i32, i32) {
    %c0_i32 = arith.constant 0 : i32
    %c0_i32_0 = arith.constant 0 : i32
    return %arg0, %c0_i32, %arg1 : i32, i32, i32
  }
  func.func @transform_1(%arg0: i32, %arg1: i32) -> (i32, i32, i32) {
    %c0_i32 = arith.constant 0 : i32
    %c0_i32_0 = arith.constant 0 : i32
    %c0_i32_1 = arith.constant 0 : i32
    %c0_i32_2 = arith.constant 0 : i32
    return %c0_i32, %c0_i32_0, %c0_i32_1 : i32, i32, i32
  }
  func.func @transform_2(%arg0: i32, %arg1: i32) -> (i32, i32, i32) {
    %c0_i32 = arith.constant 0 : i32
    %c0_i32_0 = arith.constant 0 : i32
    %c0_i32_1 = arith.constant 0 : i32
    %c0_i32_2 = arith.constant 0 : i32
    return %c0_i32, %c0_i32_0, %c0_i32_1 : i32, i32, i32
  }
  func.func @transform_3(%arg0: i32, %arg1: i32) -> (i32, i32, i32) {
    %c0_i32 = arith.constant 0 : i32
    %c0_i32_0 = arith.constant 0 : i32
    %c0_i32_1 = arith.constant 0 : i32
    %c0_i32_2 = arith.constant 0 : i32
    return %c0_i32, %c0_i32_0, %c0_i32_1 : i32, i32, i32
  }
  func.func @transform_4(%arg0: i32, %arg1: i32) -> (i32, i32, i32) {
    %c0_i32 = arith.constant 0 : i32
    %c0_i32_0 = arith.constant 0 : i32
    %c0_i32_1 = arith.constant 0 : i32
    %c0_i32_2 = arith.constant 0 : i32
    return %c0_i32, %c0_i32_0, %c0_i32_1 : i32, i32, i32
  }
  func.func @transform_5(%arg0: i32, %arg1: i32) -> (i32, i32, i32) {
    %c0_i32 = arith.constant 0 : i32
    %c0_i32_0 = arith.constant 0 : i32
    return %arg0, %c0_i32, %arg1 : i32, i32, i32
  }
  func.func @transform_6(%arg0: i32, %arg1: i32) -> (i32, i32, i32, i32) {
    %c0_i32 = arith.constant 0 : i32
    %c0_i32_0 = arith.constant 0 : i32
    %c0_i32_1 = arith.constant 0 : i32
    return %c0_i32, %arg0, %c0_i32_0, %arg1 : i32, i32, i32, i32
  }
  func.func @transform_7(%arg0: i32, %arg1: i32) -> (i32, i32, i32) {
    %c0_i32 = arith.constant 0 : i32
    %c0_i32_0 = arith.constant 0 : i32
    return %arg0, %c0_i32, %arg1 : i32, i32, i32
  }
  func.func @transform_8(%arg0: i32, %arg1: i32) -> (i32, i32, i32, i32) {
    %c0_i32 = arith.constant 0 : i32
    %c0_i32_0 = arith.constant 0 : i32
    %c0_i32_1 = arith.constant 0 : i32
    return %arg0, %arg1, %c0_i32, %c0_i32_0 : i32, i32, i32, i32
  }
}

</mosaic_0001>

<sc_bundles>
// kernel: sparse-core-data-format-call.cloned.1.call-start
scs
called_computation_lowered:
.L_overlay_start_0:
0x0: {  	s2 =	sld [smem:$0x3FD9]  }
0x1: {  	s3 =	sld [smem:$0x3FFE];
	_ =	sdelay $0x1  }
0x2: {  	s1 =	srdreg.scid  }
0x3: {  	s0 =	sand.u32 $0x1, s1  }
0x4: {  	s15 =	sshll.u32 s0, $0xA;
	s2 =	sadd.s32 s3, s2  }
0x5: {  	s2 =	sadd.s32 s2, s15  }
0x6: {  	[smem:$0x3FC6] =	sst s2  }
0x7: {  	_ = 	snop  }
0x8: {  	s2 =	sld [smem:$0x3FD0];
	_ =	sdelay $0x2  }
0x9: {  	s16 =	simm.s32 $0xA;
	s4 =	simm.s32 $0x10  }
0xa: {  	[smem:s4], [sflag:s16] =	dma.local [hbm:s2], $0x1  }
0xb: {  	_ =	swait.eq [sflag:s16], $0x1  }
0xc: {  	[sflag:s16] =	ssyncset.done $0x0  }
0xd: {  	[sflag:s16] =	ssyncadd.s32 $0xFFFFFFFF  }
0xe: {  	s17 =	sld [smem:$0x13];
	(tm) =	ssettm $0x1  }
0xf: {  	s18 =	sld [smem:$0x3FFB];
	_ =	sdelay $0x3  }
0x10: {  	_ =	strace s18  }
0x11: {  	s3 =	sld [smem:$0x3FFC];
	_ =	sdelay $0x3  }
0x12: {  	_ =	strace s3  }
0x13: {  	s3 =	sld [smem:$0x3FFD];
	_ =	sdelay $0x3  }
0x14: {  	_ =	strace s3  }
0x15: {  	_ =	strace $0x8FFFFFFF  }
0x16: {  	s19 =	sld [smem:$0x3FDB];
	_ =	sdelay $0x1  }
0x17: {  	s20 =	simm.s32 $_scs_section_size  }
0x18: {  	s5 =	simm.s32 $_size__tile_overlayer_lowered;
	s6 =	simm.s32 $_tile_overlayer_lowered  }
0x19: {  	s23 =	simm.s32 $0x1BFF;
	s22 =	sshll.u32 s6, $0x1;
	s3 =	sadd.s32 s20, s19  }
0x1a: {  	s7 =	simm.s32 $0x0;
	s21 =	sshll.u32 s5, $0x1;
	s5 =	sadd.s32 s22, s3  }
0x1b: {  	[timem:s7], [sflag:s23] =	dma.local [hbm:s5], s21  }
0x1c: {  	_ =	swait.ge [sflag:s23], s21  }
0x1d: {  	s4 =	ssub.s32 $0x0, s21;
	[sflag:s23] =	ssyncset.done $0x0  }
0x1e: {  	[sflag:s23] =	ssyncadd.s32 s4;
	_ =	sdelay $0x1  }
0x1f: {  	s24 =	simm.s32 $0x1B8B  }
0x20: {  	_ =	swait.ge [sflag:s24], $0x1  }
0x21: {  	[sflag:s24] =	ssyncset.done $0x0  }
0x22: {  	s26 =	simm.s32 $0x1B8E;
	s25 =	sld [smem:$0x3FFE];
	[sflag:s24] =	ssyncadd.s32 $0xFFFFFFFF  }
0x23: {  	s27 =	simm.s32 $execute0_lowered;
	[smem:$0x3FD2] =	sst s26  }
0x24: {  	s5 =	sshll.u32 s27, $0x1;
	_ =	strace $0x80000046;
	[dreg:$0x1] =	wrdreg $0xFFFFFFFF  }
0x25: {  	s28 =	simm.s32 $_size_execute0_lowered;
	s3 =	sadd.s32 s3, s5;
	[dreg:$0x0] =	wrdreg $0x0  }
0x26: {  	s5 =	sshll.u32 s28, $0x1;
	[dreg:$0x2] =	wrdreg s3  }
0x27: {  	[dreg:$0x3] =	wrdreg s5  }
0x28: {  	[dreg:$0x4] =	wrdreg $0xC0  }
0x29: {  	_ =	task [dreg:s7], $0x5FFFF  }
0x2a: {  	[dreg:$0x1] =	wrdreg $0xFFFFFFFF  }
0x2b: {  	[dreg:$0x0] =	wrdreg $0x60  }
0x2c: {  	[dreg:$0x2] =	wrdreg s25  }
0x2d: {  	[dreg:$0x3] =	wrdreg s17  }
0x2e: {  	[dreg:$0x4] =	wrdreg $0x9  }
0x2f: {  	_ =	task.clear_ibuf [dreg:s7], $0x5FFFF;
	_ =	strace $0x90000046  }
0x30: {  	s29 =	simm.s32 $0x9;
	_ =	strace $0x80000048  }
0x31: {  	_ =	swait.ge [sflag:s29], $0x1  }
0x32: {  	[sflag:s29] =	ssyncadd.s32 $0xFFFFFFFF  }
0x33: {  	_ =	strace $0x90000048  }
0x34: {  	_ =	sfence  }
0x35: {  	s30 =	sld [smem:$0x0];
	_ =	sdelay $0x2  }
0x36: {  	s31 =	sshll.u32 s1, $0xD;
	s1 =	sshrl.u32 s1, $0x2  }
0x37: {  	s3 =	sand.u32 $0x4000, s31;
	s1 =	sadd.s32 s1, s30  }
0x38: {  	s0 =	sor.u32 s3, s0;
	s1 =	sshll.u32 s1, $0x11  }
0x39: {  	s0 =	sor.u32 s1, s0  }
0x3a: {  	s0 =	sadd.s32 $0x8F2B, s0  }
0x3b: {  	[sflag:s0] =	ssyncadd.remote.s32 $0x1  }
0x3c: {  	_ =	sfence.sel $0xFFFF  }
0x3d: {  	[dreg:$0x0] =	wrdreg $0xFFFFFFFF;
	(pc) =	sbr.abs _section_cstart, $3  }
0x3e: {  	[dreg:$0x1] =	wrdreg $0xFFFFFFFF  }
0x3f: {  	_ =	task.clear_ibuf [dreg:s7], $0x2FFFF;
	_ =	strace $0x9FFFFFFF  }
0x40: {  	(tm) =	ssettm $0x7FFFFFFF  }
0x41: {  	_ =	shalt  }
tec
execute0_lowered:
.L_overlay_start_1:
0x0: {  	(tag) =	ssettag $0x1  }
0x1: {  	s1 =	rddreg [dreg:$0x0]  }
0x2: {  	s2 =	rddreg [dreg:$0x1]  }
0x3: {  	s0 =	rddreg [dreg:$0x2];
	s4 =	srdreg.scid  }
0x4: {  	_ =	strace $0x80000047;
	s7 =	simm.s32 $0x2;
	s13 =	simm.s32 $0x0  }
0x5: {  	p0 =	por $0x0, $0x0;
	s14 =	simm.s32 $0x0;
	s15 =	simm.s32 $0x0  }
0x6: {  	s16 =	simm.s32 $0x0;
	s9 =	simm.s32 $0x0;
	s10 =	simm.s32 $0x0  }
.Ltmp0:
0x7: {  	s3 =	sadd.s32 $0x800, s1;
	s4 =	sshll.u32 s4, $0x4;
	(pc) =	sbr.rel .LBB1_1-.Ltmp0, $4  }
0x8: {  	s1 =	stileid.u32;
	s5 =	sand.u32 $0x10, s4;
	s4 =	simm.s32 $0x1  }
0x9: {  	s8 =	simm.s32 $0x0;
	s6 =	sor.u32 s1, s5;
	[sflag:s4] =	ssyncpa.u1 $0x0  }
0xa: {  	s5 =	sand.u32 $0x3, s1;
	s6 =	sshrl.u32 s6, $0x2;
	[sflag:s7] =	ssyncpa.u1 $0x0  }
0xb: {  	s7 =	simm.s32 $0x1000;
	s12 =	smov.u32 s5;
	s11 =	smov.u32 s6  }
.LBB1_5:
0xc: {  	s17 =	sadd.s32 $0x80, s9  }
0xd: {  	s13 =	sadd.s32 $0x80, s10;
	s18 =	smov.u32 s10;
	p2 =	sgt.s32 s17, $0x3FF  }
0xe: {  	s18 =	smov.u32 @p2 s13  }
0xf: {  	s19 =	smov.u32 s11;
	s13 =	sadd.s32 $0x8, s11;
	p3 =	sgt.s32 s18, $0xFF  }
0x10: {  	s19 =	smov.u32 @p3 s13  }
0x11: {  	s20 =	smov.u32 s12;
	s13 =	sadd.s32 $0x4, s12;
	p4 =	sgt.s32 s19, $0x7  }
0x12: {  	p1 =	slt.u32 s8, $0x2;
	s20 =	smov.u32 @p4 s13  }
0x13: {  	s8 =	sadd.s32 $0x1, s8;
	s17 =	simm.s32 @p2 $0x0;
	p2 =	sgt.s32 s20, $0x3  }
0x14: {  	s21 =	simm.s32 @!p1 $0x2;
	s20 =	smov.u32 @p2 s5;
	p2 =	sne.s32 s8, $0x12  }
.Ltmp1:
0x15: {  	s14 =	smov.u32 s10;
	_ =	swait.ge @!p1 [sflag:s21], $0x4000;
	(pc) =	sbr.rel @!p2 .LBB1_6-.Ltmp1, $4  }
0x16: {  	s15 =	smov.u32 s11;
	s16 =	smov.u32 s12;
	[sflag:s21] =	ssyncset.done @!p1 $0x0  }
0x17: {  	p0 =	por !p0, !p0;
	s18 =	simm.s32 @p3 $0x0;
	[sflag:s21] =	ssyncadd.s32 @!p1 $0xFFFFC000  }
0x18: {  	s10 =	smov.u32 s18;
	s19 =	smov.u32 @p4 s6;
	s13 =	smov.u32 s9  }
0x19: {  	s9 =	smov.u32 s17;
	s11 =	smov.u32 s19;
	s12 =	smov.u32 s20  }
.LBB1_1:
0x1a: {  	p1 =	sgt.u32 s8, $0xF  }
0x1b: {  	s17 =	sxor.u32 @!p1 $0xFFFFFFFF, s8;
	s18 =	sshll.u32 @!p1 s10, $0x7;
	s19 =	sand.u32 @!p1 $0x78, s9  }
0x1c: {  	s21 =	sshll.u32 @!p1 s11, $0xF;
	s17 =	sshll.u32 @!p1 s17, $0xE;
	s20 =	sand.u32 @!p1 $0x380, s18  }
0x1d: {  	s18 =	sand.u32 @!p1 $0x7C00, s18;
	s19 =	sor.u32 @!p1 s19, s20;
	s20 =	sshll.u32 @!p1 s12, $0x12  }
0x1e: {  	s17 =	sand.u32 @!p1 $0x4000, s17;
	s18 =	sadd.s32 @!p1 s9, s18;
	s20 =	sadd.s32 @!p1 s3, s20  }
0x1f: {  	s19 =	sshrl.u32 @!p1 s19, $0x3;
	s20 =	sadd.s32 @!p1 s21, s20;
	s21 =	sand.u32 @!p1 $0x7, s9  }
0x20: {  	s18 =	sand.u32 @!p1 $0x7F80, s18;
	s19 =	sadd.s32 @!p1 s19, s20;
	s20 =	sshll.u32 @!p1 s21, $0x12  }
0x21: {  	s18 =	sadd.s32 @!p1 s18, s19;
	s19 =	sor.u32 @!p1 $0x400, s20;
	s20 =	simm.s32 @!p1 $0x2000  }
0x22: {  	[tilespmem:s17], [sflag:$0x1] =	stream.strided.gather @!p1 [hbm4b:s18+s19], $0x4000, s20, s19, $0x38;
	[tilespmem:$0x10000] =	vst v63  }
0x23: {  	p1 =	seq.s32 s8, $0x0  }
0x24: {  	p2 =	seq.s32 @!p1 s8, $0x11  }
0x25: {  	p1 =	por p1, p2  }
.Ltmp2:
0x26: {  	_ = 	snop;
	(pc) =	sbr.rel @p1 .LBB1_5-.Ltmp2, $1  }
0x27: {  	_ =	sdelay $0x3  }
0x28: {  	s17 =	simm.s32 $0x1  }
0x29: {  	s17 =	simm.s32 @!p0 $0x0  }
0x2a: {  	s17 =	sshll.u32 s17, $0xE  }
0x2b: {  	s18 =	sor.u32 $0x40, s17  }
0x2c: {  	v1 =	vmov s18;
	_ =	sdelay $0x1  }
0x2d: {  	_ =	swait.ge [sflag:s4], $0x4000  }
0x2e: {  	[sflag:s4] =	ssyncset.done $0x0  }
0x2f: {  	s19 =	simm.s32 $0x0;
	[sflag:s4] =	ssyncadd.s32 $0xFFFFC000  }
0x30: {  	s17 =	sor.u32 $0x8070, s17;
	v7 =	vld.idx.msk [tilespmem:v1+s19+$0x30 ss:$0x1], $0xffff  }
0x31: {  	v0 =	vmov s17;
	v8 =	vld.idx.msk [tilespmem:v1+s19+$0xFFFFFFC0 ss:$0x1], $0xffff  }
0x32: {  	v6 =	vld.idx.msk [tilespmem:v1+s19+$0xFFFFFFD0 ss:$0x1], $0xffff  }
0x33: {  	v4 =	vld.idx.msk [tilespmem:v1+s19+$0xFFFFFFE0 ss:$0x1], $0xffff  }
0x34: {  	v2 =	vld.idx.msk [tilespmem:v1+s19+$0xFFFFFFF0 ss:$0x1], $0xffff  }
0x35: {  	s31 =	sshll.u32 s8, $0xE;
	v3 =	vld.idx.msk [tilespmem:v1+s19+$0x0 ss:$0x1], $0xffff  }
0x36: {  	s17 =	sand.u32 $0x4000, s31;
	v5 =	vld.idx.msk [tilespmem:v1+s19+$0x10 ss:$0x1], $0xffff;
	[tilespmem:v0+s19+$0x0 ss:$0x1] =	vst.idx.msk $0xffff, v7  }
0x37: {  	s20 =	simm.s32 $0x400;
	s18 =	simm.s32 $0x80;
	s17 =	sor.u32 $0x8000, s17;
	[tilespmem:v0+s19+$0xFFFFFF90 ss:$0x1] =	vst.idx.msk $0xffff, v8;
	v7 =	vld.idx.msk [tilespmem:v1+s19+$0x20 ss:$0x1], $0xffff  }
.LBB1_3:
0x38: {  	p1 =	sne.s32 s20, $0xFE00;
	v8 =	vld.idx.msk [tilespmem:v1+s18+$0x30 ss:$0x1], $0xffff;
	[tilespmem:v0+s19+$0xFFFFFFA0 ss:$0x1] =	vst.idx.msk $0xffff, v6  }
0x39: {  	v9 =	vld.idx.msk [tilespmem:v1+s18+$0xFFFFFFC0 ss:$0x1], $0xffff;
	[tilespmem:v0+s19+$0xFFFFFFB0 ss:$0x1] =	vst.idx.msk $0xffff, v4  }
0x3a: {  	v6 =	vld.idx.msk [tilespmem:v1+s18+$0xFFFFFFD0 ss:$0x1], $0xffff;
	[tilespmem:v0+s19+$0xFFFFFFC0 ss:$0x1] =	vst.idx.msk $0xffff, v2  }
.Ltmp3:
0x3b: {  	v4 =	vld.idx.msk [tilespmem:v1+s18+$0xFFFFFFE0 ss:$0x1], $0xffff;
	[tilespmem:v0+s19+$0xFFFFFFD0 ss:$0x1] =	vst.idx.msk $0xffff, v3;
	(pc) =	sbr.rel @p1 .LBB1_3-.Ltmp3, $4  }
0x3c: {  	v2 =	vld.idx.msk [tilespmem:v1+s18+$0xFFFFFFF0 ss:$0x1], $0xffff;
	[tilespmem:v0+s19+$0xFFFFFFE0 ss:$0x1] =	vst.idx.msk $0xffff, v5  }
0x3d: {  	v3 =	vld.idx.msk [tilespmem:v1+s18+$0x0 ss:$0x1], $0xffff;
	[tilespmem:v0+s19+$0xFFFFFFF0 ss:$0x1] =	vst.idx.msk $0xffff, v7;
	s19 =	smov.u32 s18  }
0x3e: {  	v5 =	vld.idx.msk [tilespmem:v1+s19+$0x10 ss:$0x1], $0xffff;
	[tilespmem:v0+s19+$0x0 ss:$0x1] =	vst.idx.msk $0xffff, v8  }
0x3f: {  	s18 =	sshra.s32 s20, $0x2;
	s20 =	sadd.s32 $0x200, s20;
	[tilespmem:v0+s19+$0xFFFFFF90 ss:$0x1] =	vst.idx.msk $0xffff, v9;
	v7 =	vld.idx.msk [tilespmem:v1+s19+$0x20 ss:$0x1], $0xffff  }
0x40: {  	_ =	sdelay $0x3  }
0x41: {  	[tilespmem:v0+s19+$0xFFFFFFA0 ss:$0x1] =	vst.idx.msk $0xffff, v6  }
0x42: {  	v56 =	vld.idx.msk [tilespmem:v1+s18+$0x30 ss:$0x1], $0xffff;
	[tilespmem:v0+s19+$0xFFFFFFB0 ss:$0x1] =	vst.idx.msk $0xffff, v4  }
0x43: {  	v57 =	vld.idx.msk [tilespmem:v1+s18+$0xFFFFFFC0 ss:$0x1], $0xffff;
	[tilespmem:v0+s19+$0xFFFFFFC0 ss:$0x1] =	vst.idx.msk $0xffff, v2  }
0x44: {  	v58 =	vld.idx.msk [tilespmem:v1+s18+$0xFFFFFFD0 ss:$0x1], $0xffff;
	[tilespmem:v0+s19+$0xFFFFFFD0 ss:$0x1] =	vst.idx.msk $0xffff, v3  }
0x45: {  	v59 =	vld.idx.msk [tilespmem:v1+s18+$0xFFFFFFE0 ss:$0x1], $0xffff;
	[tilespmem:v0+s19+$0xFFFFFFE0 ss:$0x1] =	vst.idx.msk $0xffff, v5  }
0x46: {  	v60 =	vld.idx.msk [tilespmem:v1+s18+$0xFFFFFFF0 ss:$0x1], $0xffff;
	[tilespmem:v0+s19+$0xFFFFFFF0 ss:$0x1] =	vst.idx.msk $0xffff, v7  }
0x47: {  	v61 =	vld.idx.msk [tilespmem:v1+s18+$0x0 ss:$0x1], $0xffff;
	[tilespmem:v0+s18+$0x0 ss:$0x1] =	vst.idx.msk $0xffff, v56  }
0x48: {  	s16 =	sshll.u32 s16, $0x7;
	v62 =	vld.idx.msk [tilespmem:v1+s18+$0x10 ss:$0x1], $0xffff;
	s27 =	sand.u32 $0x78, s13;
	s20 =	sshll.u32 s13, $0x2;
	[tilespmem:v0+s18+$0xFFFFFF90 ss:$0x1] =	vst.idx.msk $0xffff, v57  }
0x49: {  	v63 =	vld.idx.msk [tilespmem:v1+s18+$0x20 ss:$0x1], $0xffff;
	s15 =	sshll.u32 s15, $0x11;
	s14 =	sshll.u32 s14, $0x9;
	s29 =	sshrl.u32 s13, $0x1;
	[tilespmem:v0+s18+$0xFFFFFFA0 ss:$0x1] =	vst.idx.msk $0xffff, v58  }
0x4a: {  	s30 =	sand.u32 $0x7, s13;
	s16 =	sand.u32 $0x180, s16;
	s28 =	sand.u32 $0x200, s20;
	[tilespmem:v0+s18+$0xFFFFFFB0 ss:$0x1] =	vst.idx.msk $0xffff, v59  }
.Ltmp4:
0x4b: {  	s15 =	sadd.s32 s2, s15;
	s16 =	sor.u32 s16, s27;
	[tilespmem:v0+s18+$0xFFFFFFC0 ss:$0x1] =	vst.idx.msk $0xffff, v60;
	(pc) =	sbr.rel .LBB1_5-.Ltmp4, $4  }
0x4c: {  	s14 =	sadd.s32 s14, s15;
	s16 =	sor.u32 s28, s16;
	s19 =	sand.u32 $0x180, s29;
	[tilespmem:v0+s18+$0xFFFFFFD0 ss:$0x1] =	vst.idx.msk $0xffff, v61  }
0x4d: {  	s13 =	sshll.u32 s30, $0x12;
	s31 =	sshrl.u32 s16, $0x3;
	[tilespmem:v0+s18+$0xFFFFFFE0 ss:$0x1] =	vst.idx.msk $0xffff, v62;
	s14 =	sadd.s32 s19, s14  }
0x4e: {  	s13 =	sor.u32 $0x80, s13;
	[tilespmem:v0+s18+$0xFFFFFFF0 ss:$0x1] =	vst.idx.msk $0xffff, v63;
	s14 =	sadd.s32 s31, s14  }
0x4f: {  	[hbm4b:s14+s13] =	stream.strided.scatter [tilespmem:s17], [sflag:$0x2], $0x4000, s7, s13, $0x38;
	[tilespmem:$0x10000] =	vst v63  }
.LBB1_6:
0x50: {  	_ =	sfence.sel $0x180000  }
0x51: {  	s2 =	simm.s32 $0x1;
	[bflag:$0x0] =	sbarrier.arrive $0xFFFF  }
0x52: {  	s31 =	simm.s32 $0x2;
	[sflag:s2] =	ssyncpa.u1 $0x1  }
0x53: {  	[sflag:s31] =	ssyncpa.u1 $0x1  }
0x54: {  	p0 =	sne.s32 s1, $0x0;
	_ =	strace $0x90000047  }
0x55: {  	s0 =	sadd.s32 @!p0 $0x100000, s0;
	[bflag:$0x2] =	sbarrier.arrive $0xFFFF  }
0x56: {  	[sflag:s0] =	ssyncadd.tile.s32 @!p0 $0x1;
	_ =	shalt  }
.Lfunc_end1:
_tile_overlayer_lowered:
.L_overlay_start_2:
0x57: {  	(tag) =	ssettag $0x2  }
0x58: {  	s0 =	rddreg [dreg:$0x0];
	s2 =	stileid.u32  }
0x59: {  	s1 =	rddreg [dreg:$0x1];
	p0 =	sne.s32 s2, $0x0  }
0x5a: {  	s3 =	rddreg [dreg:$0x2];
	[bflag:$0x3] =	sbarrier.arrive $0xFFFF;
	s2 =	simm.s32 @!p0 $0x1C01  }
0x5b: {  	[timem:s3], [sflag:s2] =	dma.local @!p0 [hbm:s0], s1  }
0x5c: {  	s0 =	simm.s32 @!p0 $0x1  }
0x5d: {  	_ =	swait.ge @!p0 [sflag:s0], s1  }
0x5e: {  	s1 =	ssub.s32 @!p0 $0x0, s1;
	[sflag:s0] =	ssyncset.done @!p0 $0x0  }
0x5f: {  	[sflag:s0] =	ssyncadd.s32 @!p0 s1  }
0x60: {  	[bflag:$0x3] =	sbarrier.arrive $0xFFFF  }
0x61: {  	_ =	shalt  }

</sc_bundles>
